<compile_context>
chip_gen: v7x
topology: tpu7x:2x2x1
jax: 0.10.2.dev20260603
libtpu: 0.0.44.dev20260713+nightly
codegen_flags: <defaults>
</compile_context>

<pallas_src>
import functools

import jax
import jax.numpy as jnp
from jax import lax
from jax.experimental import pallas as pl
from jax.experimental.pallas import tpu as pltpu
from jax.experimental.pallas import tpu_sc as plsc

NC = 2
NS = 16
NW = NC * NS

C = 128
RB = 2048


def _gather_body(u_hbm, i_hbm, p_hbm, q_hbm, pu_hbm, qi_hbm,
                 idxu_v, idxi_v, bufs, sem_g, sem_w):
    b = u_hbm.shape[0]
    b_per_w = b // NW
    n_chunks = b_per_w // C
    n_t = 2 * n_chunks
    n_buf = len(bufs)

    wid = lax.axis_index("s") * NC + lax.axis_index("c")
    wbase = wid * b_per_w

    pltpu.sync_copy(u_hbm.at[pl.ds(wbase, b_per_w)], idxu_v)
    pltpu.sync_copy(i_hbm.at[pl.ds(wbase, b_per_w)], idxi_v)

    def plan(t):
        if t < n_chunks:
            return p_hbm, idxu_v, pu_hbm, t
        return q_hbm, idxi_v, qi_hbm, t - n_chunks

    g_h = [None] * n_t
    w_h = [None] * n_t
    for t in range(n_t):
        if t >= n_buf:
            w_h[t - n_buf].wait()
        tab, idxv, _, c = plan(t)
        g_h[t] = pltpu.async_copy(tab.at[idxv.at[pl.ds(c * C, C)]],
                                  bufs[t % n_buf], sem_g)
        if t >= 1:
            g_h[t - 1].wait()
            _, _, out, cp = plan(t - 1)
            w_h[t - 1] = pltpu.async_copy(
                bufs[(t - 1) % n_buf], out.at[pl.ds(wbase + cp * C, C)],
                sem_w)
    g_h[n_t - 1].wait()
    _, _, out, cp = plan(n_t - 1)
    w_h[n_t - 1] = pltpu.async_copy(
        bufs[(n_t - 1) % n_buf], out.at[pl.ds(wbase + cp * C, C)], sem_w)
    for t in range(n_t - n_buf, n_t):
        w_h[t].wait()


def _gather_sc(u32, i32, p, q):
    b = u32.shape[0]
    k_dim = p.shape[1]
    mesh = plsc.VectorSubcoreMesh(core_axis_name="c", subcore_axis_name="s",
                                  num_cores=NC, num_subcores=NS)
    return pl.kernel(
        _gather_body,
        out_type=[
            jax.ShapeDtypeStruct((b, k_dim), jnp.float32),
            jax.ShapeDtypeStruct((b, k_dim), jnp.float32),
        ],
        mesh=mesh,
        compiler_params=pltpu.CompilerParams(needs_layout_passes=False),
        scratch_types=[
            pltpu.VMEM((b // NW,), jnp.int32),
            pltpu.VMEM((b // NW,), jnp.int32),
            [pltpu.VMEM((C, k_dim), jnp.float32) for _ in range(4)],
            pltpu.SemaphoreType.DMA,
            pltpu.SemaphoreType.DMA,
        ],
    )(u32, i32, p, q)


def _dense_body(pu_ref, qi_ref, rst_ref, th_ref, bias_ref, rhat_ref, alt_ref):
    k_dim = pu_ref.shape[1]
    th = th_ref[...]
    dn = (((1,), (1,)), ((), ()))
    lt = lax.dot_general(th[:, :k_dim], pu_ref[...], dn,
                         preferred_element_type=jnp.float32)
    lt += lax.dot_general(th[:, k_dim:], qi_ref[...], dn,
                          preferred_element_type=jnp.float32)
    mx = jnp.max(lt, axis=0, keepdims=True)
    e = jnp.exp(lt - mx)
    al = e / jnp.sum(e, axis=0, keepdims=True)
    alt_ref[...] = al
    rhat_ref[...] = (jnp.sum(al * rst_ref[...], axis=0, keepdims=True)
                     + bias_ref[0])


def _dense_tc(pu, qi, rst, theta, bias):
    b, k_dim = pu.shape
    num_models = rst.shape[0]
    grid = (b // RB,)
    return pl.pallas_call(
        _dense_body,
        grid=grid,
        in_specs=[
            pl.BlockSpec((RB, k_dim), lambda i: (i, 0)),
            pl.BlockSpec((RB, k_dim), lambda i: (i, 0)),
            pl.BlockSpec((num_models, RB), lambda i: (0, i)),
            pl.BlockSpec((num_models, 2 * k_dim), lambda i: (0, 0)),
            pl.BlockSpec(memory_space=pltpu.SMEM),
        ],
        out_specs=[
            pl.BlockSpec((1, RB), lambda i: (0, i)),
            pl.BlockSpec((num_models, RB), lambda i: (0, i)),
        ],
        out_shape=[
            jax.ShapeDtypeStruct((1, b), jnp.float32),
            jax.ShapeDtypeStruct((num_models, b), jnp.float32),
        ],
    )(pu, qi, rst, theta, bias)


@jax.jit
def _pla(u_idx, i_idx, r_s, p, q, theta, bias):
    u32 = u_idx.astype(jnp.int32)
    i32 = i_idx.astype(jnp.int32)
    pu, qi = _gather_sc(u32, i32, p, q)
    rhat2, alt = _dense_tc(pu, qi, r_s.T, theta, bias)
    return rhat2.reshape(r_s.shape[0]), alt.T


def kernel(u_idx, i_idx, r_s, P, Q, theta, bias):
    r_hat, alphas = _pla(u_idx, i_idx, r_s, P, Q, theta, bias)
    return (r_hat, alphas, r_s)

# --- scband reference (transcript-rebuilt; emitter-appended) ---
"""Pipeline reference for scband-pla-24902220382781 (READ-ONLY COPY).

The authoritative reference and input builder live on the scoring server;
editing this copy changes nothing except your own understanding.
"""

import jax, jax.numpy as jnp
import numpy as np

VOCAB = 100000
K = 128
B = 16384
NUM_MODELS = 4

def setup_inputs(seed: int = 0) -> dict:
    key = jax.random.key(seed)
    ks = jax.random.split(key, 6)
    u_idx = jax.random.randint(ks[0], (B,), 0, VOCAB, dtype=jnp.int64) if jax.config.jax_enable_x64 else jax.random.randint(ks[0], (B,), 0, VOCAB)
    i_idx = jax.random.randint(ks[1], (B,), 0, VOCAB)
    r_s = jax.random.normal(ks[2], (B, NUM_MODELS), dtype=jnp.float32)
    # Learned parameters: frozen sub-model embedding tables P (users), Q (items),
    # PLA's learnable theta [num_models, 2k] and scalar bias.
    P = jax.random.normal(ks[3], (VOCAB, K), dtype=jnp.float32) * 0.1
    Q = jax.random.normal(ks[4], (VOCAB, K), dtype=jnp.float32) * 0.1
    theta = jax.random.normal(ks[5], (NUM_MODELS, 2 * K), dtype=jnp.float32) * 0.1
    bias = jnp.zeros((1,), dtype=jnp.float32)
    return {"u_idx": u_idx, "i_idx": i_idx, "r_s": r_s, "P": P, "Q": Q, "theta": theta, "bias": bias}

def reference(u_idx, i_idx, r_s, P, Q, theta, bias):
    # Batched version of PLA.forward: embedding lookups for user/item latent
    # factors, concat -> phi, attention logits via theta, softmax gating over
    # the 4 sub-model predictions r_s, plus scalar bias.
    Pu = jnp.take(P, u_idx, axis=0)              # [B, K] gather
    Qi = jnp.take(Q, i_idx, axis=0)              # [B, K] gather
    phi = jnp.concatenate([Pu, Qi], axis=-1)     # [B, 2K]
    logits = phi @ theta.T                       # [B, num_models]  (torch.mv batched)
    alphas = jax.nn.softmax(logits, axis=-1)     # [B, num_models]
    r_hat = jnp.sum(alphas * r_s, axis=-1) + bias[0]  # [B]
    return (r_hat, alphas, r_s)

if __name__ == "__main__":
    import jax
    _d = setup_inputs()
    print(jax.jit(kernel)(*tuple(_d.values())))

</pallas_src>

<mosaic_0001>
#map = affine_map<(d0, d1) -> (0)>
#map1 = affine_map<(d0, d1) -> (0, 0)>
module attributes {stable_mosaic.version = 14 : i64} {
  func.func @_gather_body(%arg0: i32, %arg1: i32, %arg2: memref<16384xi32, #tpu.memory_space<hbm>>, %arg3: memref<16384xi32, #tpu.memory_space<hbm>>, %arg4: memref<100000x128xf32, #tpu.memory_space<hbm>>, %arg5: memref<100000x128xf32, #tpu.memory_space<hbm>>, %arg6: memref<16384x128xf32, #tpu.memory_space<hbm>>, %arg7: memref<16384x128xf32, #tpu.memory_space<hbm>>, %arg8: memref<512xi32, #tpu.memory_space<vmem>>, %arg9: memref<512xi32, #tpu.memory_space<vmem>>, %arg10: memref<128x128xf32, #tpu.memory_space<vmem>>, %arg11: memref<128x128xf32, #tpu.memory_space<vmem>>, %arg12: memref<128x128xf32, #tpu.memory_space<vmem>>, %arg13: memref<128x128xf32, #tpu.memory_space<vmem>>, %arg14: memref<!tpu.dma_semaphore, #tpu.memory_space<semaphore_mem>>, %arg15: memref<!tpu.dma_semaphore, #tpu.memory_space<semaphore_mem>>) attributes {dimension_semantics = [#tpu.dimension_semantics<core_parallel>, #tpu.dimension_semantics<subcore_parallel>], iteration_bounds = array<i64: 2, 16>, scalar_prefetch = 0 : i64, scratch_operands = 8 : i64, tpu.core_type = #tpu.core_type<sc_vector_subcore>, window_params = [{transform_indices = #map}, {transform_indices = #map}, {transform_indices = #map1}, {transform_indices = #map1}, {transform_indices = #map1}, {transform_indices = #map1}]} {
    %mul3A = arith.constant 2 : i32
    %mul3A_0 = arith.muli %arg1, %mul3A : i32
    %add3A = arith.addi %mul3A_0, %arg0 : i32
    %mul3A_1 = arith.constant 512 : i32
    %mul3A_2 = arith.muli %add3A, %mul3A_1 : i32
    "tpu.region"() ({
      %run_scoped3A = tpu.sem_alloc : memref<!tpu.dma_semaphore, #tpu.memory_space<semaphore_mem>>
      %dma_start3A_161 = tpu.memref_slice %arg2[%mul3A_2] : memref<16384xi32, #tpu.memory_space<hbm>> -> memref<512xi32, #tpu.memory_space<hbm>>
      %dma_start3A_162 = tpu.memref_slice %arg2[%mul3A_2] : memref<16384xi32, #tpu.memory_space<hbm>> -> memref<512xi32, #tpu.memory_space<hbm>>
      tpu.enqueue_dma source(%dma_start3A_162 : memref<512xi32, #tpu.memory_space<hbm>>) target(%arg8 : memref<512xi32, #tpu.memory_space<vmem>>) target_semaphore(%run_scoped3A : memref<!tpu.dma_semaphore, #tpu.memory_space<semaphore_mem>>)
      %dma_wait3A_163 = tpu.memref_slice %arg2[%mul3A_2] : memref<16384xi32, #tpu.memory_space<hbm>> -> memref<512xi32, #tpu.memory_space<hbm>>
      %dma_wait3A_164 = tpu.memref_slice %arg2[%mul3A_2] : memref<16384xi32, #tpu.memory_space<hbm>> -> memref<512xi32, #tpu.memory_space<hbm>>
      tpu.wait_dma2 semaphore(%run_scoped3A : memref<!tpu.dma_semaphore, #tpu.memory_space<semaphore_mem>>) src(%dma_wait3A_164 : memref<512xi32, #tpu.memory_space<hbm>>) dst(%arg8 : memref<512xi32, #tpu.memory_space<vmem>>)
      tpu.yield
    }) : () -> ()
    "tpu.region"() ({
      %run_scoped3A = tpu.sem_alloc : memref<!tpu.dma_semaphore, #tpu.memory_space<semaphore_mem>>
      %dma_start3A_161 = tpu.memref_slice %arg3[%mul3A_2] : memref<16384xi32, #tpu.memory_space<hbm>> -> memref<512xi32, #tpu.memory_space<hbm>>
      %dma_start3A_162 = tpu.memref_slice %arg3[%mul3A_2] : memref<16384xi32, #tpu.memory_space<hbm>> -> memref<512xi32, #tpu.memory_space<hbm>>
      tpu.enqueue_dma source(%dma_start3A_162 : memref<512xi32, #tpu.memory_space<hbm>>) target(%arg9 : memref<512xi32, #tpu.memory_space<vmem>>) target_semaphore(%run_scoped3A : memref<!tpu.dma_semaphore, #tpu.memory_space<semaphore_mem>>)
      %dma_wait3A_163 = tpu.memref_slice %arg3[%mul3A_2] : memref<16384xi32, #tpu.memory_space<hbm>> -> memref<512xi32, #tpu.memory_space<hbm>>
      %dma_wait3A_164 = tpu.memref_slice %arg3[%mul3A_2] : memref<16384xi32, #tpu.memory_space<hbm>> -> memref<512xi32, #tpu.memory_space<hbm>>
      tpu.wait_dma2 semaphore(%run_scoped3A : memref<!tpu.dma_semaphore, #tpu.memory_space<semaphore_mem>>) src(%dma_wait3A_164 : memref<512xi32, #tpu.memory_space<hbm>>) dst(%arg9 : memref<512xi32, #tpu.memory_space<vmem>>)
      tpu.yield
    }) : () -> ()
    %dma_start3A = arith.constant 0 : i32
    %dma_start3A_3 = tpu.memref_slice %arg8[%dma_start3A] : memref<512xi32, #tpu.memory_space<vmem>> -> memref<128xi32, #tpu.memory_space<vmem>>
    %dma_start3A_4 = arith.constant 0 : i32
    %dma_start3A_5 = arith.constant 0 : i32
    %dma_start3A_6 = tpu.memref_slice %arg4[%dma_start3A_4, %dma_start3A_5] : memref<100000x128xf32, #tpu.memory_space<hbm>> -> memref<100000x128xf32, #tpu.memory_space<hbm>>
    tpu.enqueue_indirect_dma source(%dma_start3A_6 : memref<100000x128xf32, #tpu.memory_space<hbm>>) target(%arg10 : memref<128x128xf32, #tpu.memory_space<vmem>>) offsets(%dma_start3A_3 : memref<128xi32, #tpu.memory_space<vmem>>) semaphore(%arg14 : memref<!tpu.dma_semaphore, #tpu.memory_space<semaphore_mem>>)
    %dma_start3A_7 = arith.constant 128 : i32
    %dma_start3A_8 = tpu.memref_slice %arg8[%dma_start3A_7] : memref<512xi32, #tpu.memory_space<vmem>> -> memref<128xi32, #tpu.memory_space<vmem>>
    %dma_start3A_9 = arith.constant 0 : i32
    %dma_start3A_10 = arith.constant 0 : i32
    %dma_start3A_11 = tpu.memref_slice %arg4[%dma_start3A_9, %dma_start3A_10] : memref<100000x128xf32, #tpu.memory_space<hbm>> -> memref<100000x128xf32, #tpu.memory_space<hbm>>
    tpu.enqueue_indirect_dma source(%dma_start3A_11 : memref<100000x128xf32, #tpu.memory_space<hbm>>) target(%arg11 : memref<128x128xf32, #tpu.memory_space<vmem>>) offsets(%dma_start3A_8 : memref<128xi32, #tpu.memory_space<vmem>>) semaphore(%arg14 : memref<!tpu.dma_semaphore, #tpu.memory_space<semaphore_mem>>)
    %dma_wait3A = arith.constant 0 : i32
    %dma_wait3A_12 = tpu.memref_slice %arg8[%dma_wait3A] : memref<512xi32, #tpu.memory_space<vmem>> -> memref<128xi32, #tpu.memory_space<vmem>>
    %dma_wait3A_13 = arith.constant 0 : i32
    %dma_wait3A_14 = arith.constant 0 : i32
    %dma_wait3A_15 = tpu.memref_slice %arg4[%dma_wait3A_13, %dma_wait3A_14] : memref<100000x128xf32, #tpu.memory_space<hbm>> -> memref<100000x128xf32, #tpu.memory_space<hbm>>
    tpu.wait_indirect_dma semaphore(%arg14 : memref<!tpu.dma_semaphore, #tpu.memory_space<semaphore_mem>>) src(%dma_wait3A_15 : memref<100000x128xf32, #tpu.memory_space<hbm>>) dst(%arg10 : memref<128x128xf32, #tpu.memory_space<vmem>>)
    %add3A_16 = arith.constant 0 : i32
    %add3A_17 = arith.addi %mul3A_2, %add3A_16 : i32
    %dma_start3A_18 = arith.constant 0 : i32
    %dma_start3A_19 = tpu.memref_slice %arg6[%add3A_17, %dma_start3A_18] : memref<16384x128xf32, #tpu.memory_space<hbm>> -> memref<128x128xf32, #tpu.memory_space<hbm>>
    %dma_start3A_20 = arith.constant 0 : i32
    %dma_start3A_21 = tpu.memref_slice %arg6[%add3A_17, %dma_start3A_20] : memref<16384x128xf32, #tpu.memory_space<hbm>> -> memref<128x128xf32, #tpu.memory_space<hbm>>
    tpu.enqueue_dma source(%arg10 : memref<128x128xf32, #tpu.memory_space<vmem>>) target(%dma_start3A_21 : memref<128x128xf32, #tpu.memory_space<hbm>>) target_semaphore(%arg15 : memref<!tpu.dma_semaphore, #tpu.memory_space<semaphore_mem>>)
    %dma_start3A_22 = arith.constant 256 : i32
    %dma_start3A_23 = tpu.memref_slice %arg8[%dma_start3A_22] : memref<512xi32, #tpu.memory_space<vmem>> -> memref<128xi32, #tpu.memory_space<vmem>>
    %dma_start3A_24 = arith.constant 0 : i32
    %dma_start3A_25 = arith.constant 0 : i32
    %dma_start3A_26 = tpu.memref_slice %arg4[%dma_start3A_24, %dma_start3A_25] : memref<100000x128xf32, #tpu.memory_space<hbm>> -> memref<100000x128xf32, #tpu.memory_space<hbm>>
    tpu.enqueue_indirect_dma source(%dma_start3A_26 : memref<100000x128xf32, #tpu.memory_space<hbm>>) target(%arg12 : memref<128x128xf32, #tpu.memory_space<vmem>>) offsets(%dma_start3A_23 : memref<128xi32, #tpu.memory_space<vmem>>) semaphore(%arg14 : memref<!tpu.dma_semaphore, #tpu.memory_space<semaphore_mem>>)
    %dma_wait3A_27 = arith.constant 128 : i32
    %dma_wait3A_28 = tpu.memref_slice %arg8[%dma_wait3A_27] : memref<512xi32, #tpu.memory_space<vmem>> -> memref<128xi32, #tpu.memory_space<vmem>>
    %dma_wait3A_29 = arith.constant 0 : i32
    %dma_wait3A_30 = arith.constant 0 : i32
    %dma_wait3A_31 = tpu.memref_slice %arg4[%dma_wait3A_29, %dma_wait3A_30] : memref<100000x128xf32, #tpu.memory_space<hbm>> -> memref<100000x128xf32, #tpu.memory_space<hbm>>
    tpu.wait_indirect_dma semaphore(%arg14 : memref<!tpu.dma_semaphore, #tpu.memory_space<semaphore_mem>>) src(%dma_wait3A_31 : memref<100000x128xf32, #tpu.memory_space<hbm>>) dst(%arg11 : memref<128x128xf32, #tpu.memory_space<vmem>>)
    %add3A_32 = arith.constant 128 : i32
    %add3A_33 = arith.addi %mul3A_2, %add3A_32 : i32
    %dma_start3A_34 = arith.constant 0 : i32
    %dma_start3A_35 = tpu.memref_slice %arg6[%add3A_33, %dma_start3A_34] : memref<16384x128xf32, #tpu.memory_space<hbm>> -> memref<128x128xf32, #tpu.memory_space<hbm>>
    %dma_start3A_36 = arith.constant 0 : i32
    %dma_start3A_37 = tpu.memref_slice %arg6[%add3A_33, %dma_start3A_36] : memref<16384x128xf32, #tpu.memory_space<hbm>> -> memref<128x128xf32, #tpu.memory_space<hbm>>
    tpu.enqueue_dma source(%arg11 : memref<128x128xf32, #tpu.memory_space<vmem>>) target(%dma_start3A_37 : memref<128x128xf32, #tpu.memory_space<hbm>>) target_semaphore(%arg15 : memref<!tpu.dma_semaphore, #tpu.memory_space<semaphore_mem>>)
    %dma_start3A_38 = arith.constant 384 : i32
    %dma_start3A_39 = tpu.memref_slice %arg8[%dma_start3A_38] : memref<512xi32, #tpu.memory_space<vmem>> -> memref<128xi32, #tpu.memory_space<vmem>>
    %dma_start3A_40 = arith.constant 0 : i32
    %dma_start3A_41 = arith.constant 0 : i32
    %dma_start3A_42 = tpu.memref_slice %arg4[%dma_start3A_40, %dma_start3A_41] : memref<100000x128xf32, #tpu.memory_space<hbm>> -> memref<100000x128xf32, #tpu.memory_space<hbm>>
    tpu.enqueue_indirect_dma source(%dma_start3A_42 : memref<100000x128xf32, #tpu.memory_space<hbm>>) target(%arg13 : memref<128x128xf32, #tpu.memory_space<vmem>>) offsets(%dma_start3A_39 : memref<128xi32, #tpu.memory_space<vmem>>) semaphore(%arg14 : memref<!tpu.dma_semaphore, #tpu.memory_space<semaphore_mem>>)
    %dma_wait3A_43 = arith.constant 256 : i32
    %dma_wait3A_44 = tpu.memref_slice %arg8[%dma_wait3A_43] : memref<512xi32, #tpu.memory_space<vmem>> -> memref<128xi32, #tpu.memory_space<vmem>>
    %dma_wait3A_45 = arith.constant 0 : i32
    %dma_wait3A_46 = arith.constant 0 : i32
    %dma_wait3A_47 = tpu.memref_slice %arg4[%dma_wait3A_45, %dma_wait3A_46] : memref<100000x128xf32, #tpu.memory_space<hbm>> -> memref<100000x128xf32, #tpu.memory_space<hbm>>
    tpu.wait_indirect_dma semaphore(%arg14 : memref<!tpu.dma_semaphore, #tpu.memory_space<semaphore_mem>>) src(%dma_wait3A_47 : memref<100000x128xf32, #tpu.memory_space<hbm>>) dst(%arg12 : memref<128x128xf32, #tpu.memory_space<vmem>>)
    %add3A_48 = arith.constant 256 : i32
    %add3A_49 = arith.addi %mul3A_2, %add3A_48 : i32
    %dma_start3A_50 = arith.constant 0 : i32
    %dma_start3A_51 = tpu.memref_slice %arg6[%add3A_49, %dma_start3A_50] : memref<16384x128xf32, #tpu.memory_space<hbm>> -> memref<128x128xf32, #tpu.memory_space<hbm>>
    %dma_start3A_52 = arith.constant 0 : i32
    %dma_start3A_53 = tpu.memref_slice %arg6[%add3A_49, %dma_start3A_52] : memref<16384x128xf32, #tpu.memory_space<hbm>> -> memref<128x128xf32, #tpu.memory_space<hbm>>
    tpu.enqueue_dma source(%arg12 : memref<128x128xf32, #tpu.memory_space<vmem>>) target(%dma_start3A_53 : memref<128x128xf32, #tpu.memory_space<hbm>>) target_semaphore(%arg15 : memref<!tpu.dma_semaphore, #tpu.memory_space<semaphore_mem>>)
    %dma_wait3A_54 = arith.constant 0 : i32
    %dma_wait3A_55 = tpu.memref_slice %arg6[%add3A_17, %dma_wait3A_54] : memref<16384x128xf32, #tpu.memory_space<hbm>> -> memref<128x128xf32, #tpu.memory_space<hbm>>
    %dma_wait3A_56 = arith.constant 0 : i32
    %dma_wait3A_57 = tpu.memref_slice %arg6[%add3A_17, %dma_wait3A_56] : memref<16384x128xf32, #tpu.memory_space<hbm>> -> memref<128x128xf32, #tpu.memory_space<hbm>>
    tpu.wait_dma2 semaphore(%arg15 : memref<!tpu.dma_semaphore, #tpu.memory_space<semaphore_mem>>) src(%arg10 : memref<128x128xf32, #tpu.memory_space<vmem>>) dst(%dma_wait3A_57 : memref<128x128xf32, #tpu.memory_space<hbm>>)
    %dma_start3A_58 = arith.constant 0 : i32
    %dma_start3A_59 = tpu.memref_slice %arg9[%dma_start3A_58] : memref<512xi32, #tpu.memory_space<vmem>> -> memref<128xi32, #tpu.memory_space<vmem>>
    %dma_start3A_60 = arith.constant 0 : i32
    %dma_start3A_61 = arith.constant 0 : i32
    %dma_start3A_62 = tpu.memref_slice %arg5[%dma_start3A_60, %dma_start3A_61] : memref<100000x128xf32, #tpu.memory_space<hbm>> -> memref<100000x128xf32, #tpu.memory_space<hbm>>
    tpu.enqueue_indirect_dma source(%dma_start3A_62 : memref<100000x128xf32, #tpu.memory_space<hbm>>) target(%arg10 : memref<128x128xf32, #tpu.memory_space<vmem>>) offsets(%dma_start3A_59 : memref<128xi32, #tpu.memory_space<vmem>>) semaphore(%arg14 : memref<!tpu.dma_semaphore, #tpu.memory_space<semaphore_mem>>)
    %dma_wait3A_63 = arith.constant 384 : i32
    %dma_wait3A_64 = tpu.memref_slice %arg8[%dma_wait3A_63] : memref<512xi32, #tpu.memory_space<vmem>> -> memref<128xi32, #tpu.memory_space<vmem>>
    %dma_wait3A_65 = arith.constant 0 : i32
    %dma_wait3A_66 = arith.constant 0 : i32
    %dma_wait3A_67 = tpu.memref_slice %arg4[%dma_wait3A_65, %dma_wait3A_66] : memref<100000x128xf32, #tpu.memory_space<hbm>> -> memref<100000x128xf32, #tpu.memory_space<hbm>>
    tpu.wait_indirect_dma semaphore(%arg14 : memref<!tpu.dma_semaphore, #tpu.memory_space<semaphore_mem>>) src(%dma_wait3A_67 : memref<100000x128xf32, #tpu.memory_space<hbm>>) dst(%arg13 : memref<128x128xf32, #tpu.memory_space<vmem>>)
    %add3A_68 = arith.constant 384 : i32
    %add3A_69 = arith.addi %mul3A_2, %add3A_68 : i32
    %dma_start3A_70 = arith.constant 0 : i32
    %dma_start3A_71 = tpu.memref_slice %arg6[%add3A_69, %dma_start3A_70] : memref<16384x128xf32, #tpu.memory_space<hbm>> -> memref<128x128xf32, #tpu.memory_space<hbm>>
    %dma_start3A_72 = arith.constant 0 : i32
    %dma_start3A_73 = tpu.memref_slice %arg6[%add3A_69, %dma_start3A_72] : memref<16384x128xf32, #tpu.memory_space<hbm>> -> memref<128x128xf32, #tpu.memory_space<hbm>>
    tpu.enqueue_dma source(%arg13 : memref<128x128xf32, #tpu.memory_space<vmem>>) target(%dma_start3A_73 : memref<128x128xf32, #tpu.memory_space<hbm>>) target_semaphore(%arg15 : memref<!tpu.dma_semaphore, #tpu.memory_space<semaphore_mem>>)
    %dma_wait3A_74 = arith.constant 0 : i32
    %dma_wait3A_75 = tpu.memref_slice %arg6[%add3A_33, %dma_wait3A_74] : memref<16384x128xf32, #tpu.memory_space<hbm>> -> memref<128x128xf32, #tpu.memory_space<hbm>>
    %dma_wait3A_76 = arith.constant 0 : i32
    %dma_wait3A_77 = tpu.memref_slice %arg6[%add3A_33, %dma_wait3A_76] : memref<16384x128xf32, #tpu.memory_space<hbm>> -> memref<128x128xf32, #tpu.memory_space<hbm>>
    tpu.wait_dma2 semaphore(%arg15 : memref<!tpu.dma_semaphore, #tpu.memory_space<semaphore_mem>>) src(%arg11 : memref<128x128xf32, #tpu.memory_space<vmem>>) dst(%dma_wait3A_77 : memref<128x128xf32, #tpu.memory_space<hbm>>)
    %dma_start3A_78 = arith.constant 128 : i32
    %dma_start3A_79 = tpu.memref_slice %arg9[%dma_start3A_78] : memref<512xi32, #tpu.memory_space<vmem>> -> memref<128xi32, #tpu.memory_space<vmem>>
    %dma_start3A_80 = arith.constant 0 : i32
    %dma_start3A_81 = arith.constant 0 : i32
    %dma_start3A_82 = tpu.memref_slice %arg5[%dma_start3A_80, %dma_start3A_81] : memref<100000x128xf32, #tpu.memory_space<hbm>> -> memref<100000x128xf32, #tpu.memory_space<hbm>>
    tpu.enqueue_indirect_dma source(%dma_start3A_82 : memref<100000x128xf32, #tpu.memory_space<hbm>>) target(%arg11 : memref<128x128xf32, #tpu.memory_space<vmem>>) offsets(%dma_start3A_79 : memref<128xi32, #tpu.memory_space<vmem>>) semaphore(%arg14 : memref<!tpu.dma_semaphore, #tpu.memory_space<semaphore_mem>>)
    %dma_wait3A_83 = arith.constant 0 : i32
    %dma_wait3A_84 = tpu.memref_slice %arg9[%dma_wait3A_83] : memref<512xi32, #tpu.memory_space<vmem>> -> memref<128xi32, #tpu.memory_space<vmem>>
    %dma_wait3A_85 = arith.constant 0 : i32
    %dma_wait3A_86 = arith.constant 0 : i32
    %dma_wait3A_87 = tpu.memref_slice %arg5[%dma_wait3A_85, %dma_wait3A_86] : memref<100000x128xf32, #tpu.memory_space<hbm>> -> memref<100000x128xf32, #tpu.memory_space<hbm>>
    tpu.wait_indirect_dma semaphore(%arg14 : memref<!tpu.dma_semaphore, #tpu.memory_space<semaphore_mem>>) src(%dma_wait3A_87 : memref<100000x128xf32, #tpu.memory_space<hbm>>) dst(%arg10 : memref<128x128xf32, #tpu.memory_space<vmem>>)
    %add3A_88 = arith.constant 0 : i32
    %add3A_89 = arith.addi %mul3A_2, %add3A_88 : i32
    %dma_start3A_90 = arith.constant 0 : i32
    %dma_start3A_91 = tpu.memref_slice %arg7[%add3A_89, %dma_start3A_90] : memref<16384x128xf32, #tpu.memory_space<hbm>> -> memref<128x128xf32, #tpu.memory_space<hbm>>
    %dma_start3A_92 = arith.constant 0 : i32
    %dma_start3A_93 = tpu.memref_slice %arg7[%add3A_89, %dma_start3A_92] : memref<16384x128xf32, #tpu.memory_space<hbm>> -> memref<128x128xf32, #tpu.memory_space<hbm>>
    tpu.enqueue_dma source(%arg10 : memref<128x128xf32, #tpu.memory_space<vmem>>) target(%dma_start3A_93 : memref<128x128xf32, #tpu.memory_space<hbm>>) target_semaphore(%arg15 : memref<!tpu.dma_semaphore, #tpu.memory_space<semaphore_mem>>)
    %dma_wait3A_94 = arith.constant 0 : i32
    %dma_wait3A_95 = tpu.memref_slice %arg6[%add3A_49, %dma_wait3A_94] : memref<16384x128xf32, #tpu.memory_space<hbm>> -> memref<128x128xf32, #tpu.memory_space<hbm>>
    %dma_wait3A_96 = arith.constant 0 : i32
    %dma_wait3A_97 = tpu.memref_slice %arg6[%add3A_49, %dma_wait3A_96] : memref<16384x128xf32, #tpu.memory_space<hbm>> -> memref<128x128xf32, #tpu.memory_space<hbm>>
    tpu.wait_dma2 semaphore(%arg15 : memref<!tpu.dma_semaphore, #tpu.memory_space<semaphore_mem>>) src(%arg12 : memref<128x128xf32, #tpu.memory_space<vmem>>) dst(%dma_wait3A_97 : memref<128x128xf32, #tpu.memory_space<hbm>>)
    %dma_start3A_98 = arith.constant 256 : i32
    %dma_start3A_99 = tpu.memref_slice %arg9[%dma_start3A_98] : memref<512xi32, #tpu.memory_space<vmem>> -> memref<128xi32, #tpu.memory_space<vmem>>
    %dma_start3A_100 = arith.constant 0 : i32
    %dma_start3A_101 = arith.constant 0 : i32
    %dma_start3A_102 = tpu.memref_slice %arg5[%dma_start3A_100, %dma_start3A_101] : memref<100000x128xf32, #tpu.memory_space<hbm>> -> memref<100000x128xf32, #tpu.memory_space<hbm>>
    tpu.enqueue_indirect_dma source(%dma_start3A_102 : memref<100000x128xf32, #tpu.memory_space<hbm>>) target(%arg12 : memref<128x128xf32, #tpu.memory_space<vmem>>) offsets(%dma_start3A_99 : memref<128xi32, #tpu.memory_space<vmem>>) semaphore(%arg14 : memref<!tpu.dma_semaphore, #tpu.memory_space<semaphore_mem>>)
    %dma_wait3A_103 = arith.constant 128 : i32
    %dma_wait3A_104 = tpu.memref_slice %arg9[%dma_wait3A_103] : memref<512xi32, #tpu.memory_space<vmem>> -> memref<128xi32, #tpu.memory_space<vmem>>
    %dma_wait3A_105 = arith.constant 0 : i32
    %dma_wait3A_106 = arith.constant 0 : i32
    %dma_wait3A_107 = tpu.memref_slice %arg5[%dma_wait3A_105, %dma_wait3A_106] : memref<100000x128xf32, #tpu.memory_space<hbm>> -> memref<100000x128xf32, #tpu.memory_space<hbm>>
    tpu.wait_indirect_dma semaphore(%arg14 : memref<!tpu.dma_semaphore, #tpu.memory_space<semaphore_mem>>) src(%dma_wait3A_107 : memref<100000x128xf32, #tpu.memory_space<hbm>>) dst(%arg11 : memref<128x128xf32, #tpu.memory_space<vmem>>)
    %add3A_108 = arith.constant 128 : i32
    %add3A_109 = arith.addi %mul3A_2, %add3A_108 : i32
    %dma_start3A_110 = arith.constant 0 : i32
    %dma_start3A_111 = tpu.memref_slice %arg7[%add3A_109, %dma_start3A_110] : memref<16384x128xf32, #tpu.memory_space<hbm>> -> memref<128x128xf32, #tpu.memory_space<hbm>>
    %dma_start3A_112 = arith.constant 0 : i32
    %dma_start3A_113 = tpu.memref_slice %arg7[%add3A_109, %dma_start3A_112] : memref<16384x128xf32, #tpu.memory_space<hbm>> -> memref<128x128xf32, #tpu.memory_space<hbm>>
    tpu.enqueue_dma source(%arg11 : memref<128x128xf32, #tpu.memory_space<vmem>>) target(%dma_start3A_113 : memref<128x128xf32, #tpu.memory_space<hbm>>) target_semaphore(%arg15 : memref<!tpu.dma_semaphore, #tpu.memory_space<semaphore_mem>>)
    %dma_wait3A_114 = arith.constant 0 : i32
    %dma_wait3A_115 = tpu.memref_slice %arg6[%add3A_69, %dma_wait3A_114] : memref<16384x128xf32, #tpu.memory_space<hbm>> -> memref<128x128xf32, #tpu.memory_space<hbm>>
    %dma_wait3A_116 = arith.constant 0 : i32
    %dma_wait3A_117 = tpu.memref_slice %arg6[%add3A_69, %dma_wait3A_116] : memref<16384x128xf32, #tpu.memory_space<hbm>> -> memref<128x128xf32, #tpu.memory_space<hbm>>
    tpu.wait_dma2 semaphore(%arg15 : memref<!tpu.dma_semaphore, #tpu.memory_space<semaphore_mem>>) src(%arg13 : memref<128x128xf32, #tpu.memory_space<vmem>>) dst(%dma_wait3A_117 : memref<128x128xf32, #tpu.memory_space<hbm>>)
    %dma_start3A_118 = arith.constant 384 : i32
    %dma_start3A_119 = tpu.memref_slice %arg9[%dma_start3A_118] : memref<512xi32, #tpu.memory_space<vmem>> -> memref<128xi32, #tpu.memory_space<vmem>>
    %dma_start3A_120 = arith.constant 0 : i32
    %dma_start3A_121 = arith.constant 0 : i32
    %dma_start3A_122 = tpu.memref_slice %arg5[%dma_start3A_120, %dma_start3A_121] : memref<100000x128xf32, #tpu.memory_space<hbm>> -> memref<100000x128xf32, #tpu.memory_space<hbm>>
    tpu.enqueue_indirect_dma source(%dma_start3A_122 : memref<100000x128xf32, #tpu.memory_space<hbm>>) target(%arg13 : memref<128x128xf32, #tpu.memory_space<vmem>>) offsets(%dma_start3A_119 : memref<128xi32, #tpu.memory_space<vmem>>) semaphore(%arg14 : memref<!tpu.dma_semaphore, #tpu.memory_space<semaphore_mem>>)
    %dma_wait3A_123 = arith.constant 256 : i32
    %dma_wait3A_124 = tpu.memref_slice %arg9[%dma_wait3A_123] : memref<512xi32, #tpu.memory_space<vmem>> -> memref<128xi32, #tpu.memory_space<vmem>>
    %dma_wait3A_125 = arith.constant 0 : i32
    %dma_wait3A_126 = arith.constant 0 : i32
    %dma_wait3A_127 = tpu.memref_slice %arg5[%dma_wait3A_125, %dma_wait3A_126] : memref<100000x128xf32, #tpu.memory_space<hbm>> -> memref<100000x128xf32, #tpu.memory_space<hbm>>
    tpu.wait_indirect_dma semaphore(%arg14 : memref<!tpu.dma_semaphore, #tpu.memory_space<semaphore_mem>>) src(%dma_wait3A_127 : memref<100000x128xf32, #tpu.memory_space<hbm>>) dst(%arg12 : memref<128x128xf32, #tpu.memory_space<vmem>>)
    %add3A_128 = arith.constant 256 : i32
    %add3A_129 = arith.addi %mul3A_2, %add3A_128 : i32
    %dma_start3A_130 = arith.constant 0 : i32
    %dma_start3A_131 = tpu.memref_slice %arg7[%add3A_129, %dma_start3A_130] : memref<16384x128xf32, #tpu.memory_space<hbm>> -> memref<128x128xf32, #tpu.memory_space<hbm>>
    %dma_start3A_132 = arith.constant 0 : i32
    %dma_start3A_133 = tpu.memref_slice %arg7[%add3A_129, %dma_start3A_132] : memref<16384x128xf32, #tpu.memory_space<hbm>> -> memref<128x128xf32, #tpu.memory_space<hbm>>
    tpu.enqueue_dma source(%arg12 : memref<128x128xf32, #tpu.memory_space<vmem>>) target(%dma_start3A_133 : memref<128x128xf32, #tpu.memory_space<hbm>>) target_semaphore(%arg15 : memref<!tpu.dma_semaphore, #tpu.memory_space<semaphore_mem>>)
    %dma_wait3A_134 = arith.constant 384 : i32
    %dma_wait3A_135 = tpu.memref_slice %arg9[%dma_wait3A_134] : memref<512xi32, #tpu.memory_space<vmem>> -> memref<128xi32, #tpu.memory_space<vmem>>
    %dma_wait3A_136 = arith.constant 0 : i32
    %dma_wait3A_137 = arith.constant 0 : i32
    %dma_wait3A_138 = tpu.memref_slice %arg5[%dma_wait3A_136, %dma_wait3A_137] : memref<100000x128xf32, #tpu.memory_space<hbm>> -> memref<100000x128xf32, #tpu.memory_space<hbm>>
    tpu.wait_indirect_dma semaphore(%arg14 : memref<!tpu.dma_semaphore, #tpu.memory_space<semaphore_mem>>) src(%dma_wait3A_138 : memref<100000x128xf32, #tpu.memory_space<hbm>>) dst(%arg13 : memref<128x128xf32, #tpu.memory_space<vmem>>)
    %add3A_139 = arith.constant 384 : i32
    %add3A_140 = arith.addi %mul3A_2, %add3A_139 : i32
    %dma_start3A_141 = arith.constant 0 : i32
    %dma_start3A_142 = tpu.memref_slice %arg7[%add3A_140, %dma_start3A_141] : memref<16384x128xf32, #tpu.memory_space<hbm>> -> memref<128x128xf32, #tpu.memory_space<hbm>>
    %dma_start3A_143 = arith.constant 0 : i32
    %dma_start3A_144 = tpu.memref_slice %arg7[%add3A_140, %dma_start3A_143] : memref<16384x128xf32, #tpu.memory_space<hbm>> -> memref<128x128xf32, #tpu.memory_space<hbm>>
    tpu.enqueue_dma source(%arg13 : memref<128x128xf32, #tpu.memory_space<vmem>>) target(%dma_start3A_144 : memref<128x128xf32, #tpu.memory_space<hbm>>) target_semaphore(%arg15 : memref<!tpu.dma_semaphore, #tpu.memory_space<semaphore_mem>>)
    %dma_wait3A_145 = arith.constant 0 : i32
    %dma_wait3A_146 = tpu.memref_slice %arg7[%add3A_89, %dma_wait3A_145] : memref<16384x128xf32, #tpu.memory_space<hbm>> -> memref<128x128xf32, #tpu.memory_space<hbm>>
    %dma_wait3A_147 = arith.constant 0 : i32
    %dma_wait3A_148 = tpu.memref_slice %arg7[%add3A_89, %dma_wait3A_147] : memref<16384x128xf32, #tpu.memory_space<hbm>> -> memref<128x128xf32, #tpu.memory_space<hbm>>
    tpu.wait_dma2 semaphore(%arg15 : memref<!tpu.dma_semaphore, #tpu.memory_space<semaphore_mem>>) src(%arg10 : memref<128x128xf32, #tpu.memory_space<vmem>>) dst(%dma_wait3A_148 : memref<128x128xf32, #tpu.memory_space<hbm>>)
    %dma_wait3A_149 = arith.constant 0 : i32
    %dma_wait3A_150 = tpu.memref_slice %arg7[%add3A_109, %dma_wait3A_149] : memref<16384x128xf32, #tpu.memory_space<hbm>> -> memref<128x128xf32, #tpu.memory_space<hbm>>
    %dma_wait3A_151 = arith.constant 0 : i32
    %dma_wait3A_152 = tpu.memref_slice %arg7[%add3A_109, %dma_wait3A_151] : memref<16384x128xf32, #tpu.memory_space<hbm>> -> memref<128x128xf32, #tpu.memory_space<hbm>>
    tpu.wait_dma2 semaphore(%arg15 : memref<!tpu.dma_semaphore, #tpu.memory_space<semaphore_mem>>) src(%arg11 : memref<128x128xf32, #tpu.memory_space<vmem>>) dst(%dma_wait3A_152 : memref<128x128xf32, #tpu.memory_space<hbm>>)
    %dma_wait3A_153 = arith.constant 0 : i32
    %dma_wait3A_154 = tpu.memref_slice %arg7[%add3A_129, %dma_wait3A_153] : memref<16384x128xf32, #tpu.memory_space<hbm>> -> memref<128x128xf32, #tpu.memory_space<hbm>>
    %dma_wait3A_155 = arith.constant 0 : i32
    %dma_wait3A_156 = tpu.memref_slice %arg7[%add3A_129, %dma_wait3A_155] : memref<16384x128xf32, #tpu.memory_space<hbm>> -> memref<128x128xf32, #tpu.memory_space<hbm>>
    tpu.wait_dma2 semaphore(%arg15 : memref<!tpu.dma_semaphore, #tpu.memory_space<semaphore_mem>>) src(%arg12 : memref<128x128xf32, #tpu.memory_space<vmem>>) dst(%dma_wait3A_156 : memref<128x128xf32, #tpu.memory_space<hbm>>)
    %dma_wait3A_157 = arith.constant 0 : i32
    %dma_wait3A_158 = tpu.memref_slice %arg7[%add3A_140, %dma_wait3A_157] : memref<16384x128xf32, #tpu.memory_space<hbm>> -> memref<128x128xf32, #tpu.memory_space<hbm>>
    %dma_wait3A_159 = arith.constant 0 : i32
    %dma_wait3A_160 = tpu.memref_slice %arg7[%add3A_140, %dma_wait3A_159] : memref<16384x128xf32, #tpu.memory_space<hbm>> -> memref<128x128xf32, #tpu.memory_space<hbm>>
    tpu.wait_dma2 semaphore(%arg15 : memref<!tpu.dma_semaphore, #tpu.memory_space<semaphore_mem>>) src(%arg13 : memref<128x128xf32, #tpu.memory_space<vmem>>) dst(%dma_wait3A_160 : memref<128x128xf32, #tpu.memory_space<hbm>>)
    return
  }
}

module attributes {stable_mosaic.version = 14 : i64} {
  func.func @_dense_body(%arg0: i32, %arg1: memref<2048x128xf32, #tpu.memory_space<vmem>>, %arg2: memref<2048x128xf32, #tpu.memory_space<vmem>>, %arg3: memref<4x2048xf32, #tpu.memory_space<vmem>>, %arg4: memref<4x256xf32, #tpu.memory_space<vmem>>, %arg5: memref<1xf32, #tpu.memory_space<smem>>, %arg6: memref<1x2048xf32, #tpu.memory_space<vmem>>, %arg7: memref<4x2048xf32, #tpu.memory_space<vmem>>) attributes {dimension_semantics = [#tpu.dimension_semantics<arbitrary>], iteration_bounds = array<i64: 8>, scalar_prefetch = 0 : i64, scratch_operands = 0 : i64, tpu.core_type = #tpu.core_type<tc>, window_params = [{transform_indices = @transform_0, window_bounds = array<i64: 2048, 128>}, {transform_indices = @transform_1, window_bounds = array<i64: 2048, 128>}, {transform_indices = @transform_2, window_bounds = array<i64: 4, 2048>}, {pipeline_mode = #tpu.pipeline_mode<synchronous>, transform_indices = @transform_3, window_bounds = array<i64: 4, 256>}, {transform_indices = @transform_4, window_bounds = array<i64: 1>}, {transform_indices = @transform_5, window_bounds = array<i64: 1, 2048>}, {transform_indices = @transform_6, window_bounds = array<i64: 4, 2048>}]} {
    %get3A = arith.constant 0 : index
    %get3A_0 = arith.constant 0 : index
    %get3A_1 = vector.load %arg4[%get3A, %get3A_0] : memref<4x256xf32, #tpu.memory_space<vmem>>, vector<4x256xf32>
    %slice3A = vector.extract_strided_slice %get3A_1 {offsets = [0, 0], sizes = [4, 128], strides = [1, 1]} : vector<4x256xf32> to vector<4x128xf32>
    %get3A_2 = arith.constant 0 : index
    %get3A_3 = arith.constant 0 : index
    %get3A_4 = vector.load %arg1[%get3A_2, %get3A_3] : memref<2048x128xf32, #tpu.memory_space<vmem>>, vector<2048x128xf32>
    %dot_general3A = arith.constant dense<0.000000e+00> : vector<4x2048xf32>
    %dot_general3A_5 = tpu.matmul %slice3A, %get3A_4, %dot_general3A {dimension_numbers = #tpu.dot_dimension_numbers<[1], [1], [0], [0], [0, 0, 1, 0], [], []>, transpose_lhs_hint = false} : vector<4x128xf32>, vector<2048x128xf32>, vector<4x2048xf32> -> vector<4x2048xf32>
    %slice3A_6 = vector.extract_strided_slice %get3A_1 {offsets = [0, 128], sizes = [4, 128], strides = [1, 1]} : vector<4x256xf32> to vector<4x128xf32>
    %get3A_7 = arith.constant 0 : index
    %get3A_8 = arith.constant 0 : index
    %get3A_9 = vector.load %arg2[%get3A_7, %get3A_8] : memref<2048x128xf32, #tpu.memory_space<vmem>>, vector<2048x128xf32>
    %dot_general3A_10 = arith.constant dense<0.000000e+00> : vector<4x2048xf32>
    %dot_general3A_11 = tpu.matmul %slice3A_6, %get3A_9, %dot_general3A_10 {dimension_numbers = #tpu.dot_dimension_numbers<[1], [1], [0], [0], [0, 0, 1, 0], [], []>, transpose_lhs_hint = false} : vector<4x128xf32>, vector<2048x128xf32>, vector<4x2048xf32> -> vector<4x2048xf32>
    %add3A = arith.addf %dot_general3A_5, %dot_general3A_11 : vector<4x2048xf32>
    %reduce_max3A = arith.constant dense<0xFF800000> : vector<2048xf32>
    %reduce_max3A_12 = vector.multi_reduction <maximumf>, %add3A, %reduce_max3A [0] : vector<4x2048xf32> to vector<2048xf32>
    %broadcast_in_dim3A = vector.shape_cast %reduce_max3A_12 : vector<2048xf32> to vector<1x2048xf32>
    %sub3A = vector.broadcast %broadcast_in_dim3A : vector<1x2048xf32> to vector<4x2048xf32>
    %sub3A_13 = arith.subf %add3A, %sub3A : vector<4x2048xf32>
    %exp3A = math.exp %sub3A_13 : vector<4x2048xf32>
    %reduce_sum3A = arith.constant dense<0.000000e+00> : vector<2048xf32>
    %reduce_sum3A_14 = vector.multi_reduction <add>, %exp3A, %reduce_sum3A [0] : vector<4x2048xf32> to vector<2048xf32>
    %broadcast_in_dim3A_15 = vector.shape_cast %reduce_sum3A_14 : vector<2048xf32> to vector<1x2048xf32>
    %div3A = vector.broadcast %broadcast_in_dim3A_15 : vector<1x2048xf32> to vector<4x2048xf32>
    %div3A_16 = arith.divf %exp3A, %div3A : vector<4x2048xf32>
    %swap3A = arith.constant 0 : index
    %swap3A_17 = arith.constant 0 : index
    %swap3A_18 = vector.load %arg7[%swap3A, %swap3A_17] : memref<4x2048xf32, #tpu.memory_space<vmem>>, vector<4x2048xf32>
    tpu.vector_store %arg7[%swap3A, %swap3A_17], %div3A_16 {strides = array<i32>} : memref<4x2048xf32, #tpu.memory_space<vmem>>, vector<4x2048xf32>,
    %get3A_19 = arith.constant 0 : index
    %get3A_20 = arith.constant 0 : index
    %get3A_21 = vector.load %arg3[%get3A_19, %get3A_20] : memref<4x2048xf32, #tpu.memory_space<vmem>>, vector<4x2048xf32>
    %mul3A = arith.mulf %div3A_16, %get3A_21 : vector<4x2048xf32>
    %reduce_sum3A_22 = arith.constant dense<0.000000e+00> : vector<2048xf32>
    %reduce_sum3A_23 = vector.multi_reduction <add>, %mul3A, %reduce_sum3A_22 [0] : vector<4x2048xf32> to vector<2048xf32>
    %broadcast_in_dim3A_24 = vector.shape_cast %reduce_sum3A_23 : vector<2048xf32> to vector<1x2048xf32>
    %get3A_25 = arith.constant 0 : index
    %get3A_26 = memref.load %arg5[%get3A_25] : memref<1xf32, #tpu.memory_space<smem>>
    %add3A_27 = vector.broadcast %get3A_26 : f32 to vector<1x2048xf32>
    %add3A_28 = arith.addf %broadcast_in_dim3A_24, %add3A_27 : vector<1x2048xf32>
    %swap3A_29 = arith.constant 0 : index
    %swap3A_30 = arith.constant 0 : index
    %swap3A_31 = vector.load %arg6[%swap3A_29, %swap3A_30] : memref<1x2048xf32, #tpu.memory_space<vmem>>, vector<1x2048xf32>
    tpu.vector_store %arg6[%swap3A_29, %swap3A_30], %add3A_28 {strides = array<i32>} : memref<1x2048xf32, #tpu.memory_space<vmem>>, vector<1x2048xf32>,
    return
  }
  func.func @transform_0(%arg0: i32) -> (i32, i32) {
    %c0_i32 = arith.constant 0 : i32
    %c0_i32_0 = arith.constant 0 : i32
    return %arg0, %c0_i32 : i32, i32
  }
  func.func @transform_1(%arg0: i32) -> (i32, i32) {
    %c0_i32 = arith.constant 0 : i32
    %c0_i32_0 = arith.constant 0 : i32
    return %arg0, %c0_i32 : i32, i32
  }
  func.func @transform_2(%arg0: i32) -> (i32, i32) {
    %c0_i32 = arith.constant 0 : i32
    %c0_i32_0 = arith.constant 0 : i32
    return %c0_i32, %arg0 : i32, i32
  }
  func.func @transform_3(%arg0: i32) -> (i32, i32) {
    %c0_i32 = arith.constant 0 : i32
    %c0_i32_0 = arith.constant 0 : i32
    %c0_i32_1 = arith.constant 0 : i32
    return %c0_i32, %c0_i32_0 : i32, i32
  }
  func.func @transform_4(%arg0: i32) -> i32 {
    %c0_i32 = arith.constant 0 : i32
    %c0_i32_0 = arith.constant 0 : i32
    return %c0_i32 : i32
  }
  func.func @transform_5(%arg0: i32) -> (i32, i32) {
    %c0_i32 = arith.constant 0 : i32
    %c0_i32_0 = arith.constant 0 : i32
    return %c0_i32, %arg0 : i32, i32
  }
  func.func @transform_6(%arg0: i32) -> (i32, i32) {
    %c0_i32 = arith.constant 0 : i32
    %c0_i32_0 = arith.constant 0 : i32
    return %c0_i32, %arg0 : i32, i32
  }
}

</mosaic_0001>

<sc_bundles>
// kernel: _pla.4.cloned.1.call-start
scs
__scs_entry_jumppad:
0x0: {  	(pc) =	sbr.rel $0x88, $3  }
0x1: {  	(tag) =	ssettag $0x0;
	lr =	simm.s32 $0x1  }
0x2: {  	[smem:$0x3F9A] =	sst lr;
	_ =	strace $0xD0000000  }
0x3: {  	_ = 	snop  }
0x4: {  	_ = 	snop  }
0x5: {  	_ = 	snop  }
0x6: {  	_ = 	snop  }
0x7: {  	_ = 	snop  }
__scs_overlays_trampoline_lowered:
0x8: {  	[smem:$0x3FA9] =	sst s0  }
0x9: {  	[smem:$0x3FAA] =	sst s1  }
0xa: {  	[smem:$0x3FAB] =	sst s2  }
0xb: {  	[smem:$0x3FAC] =	sst s3  }
0xc: {  	[smem:$0x3FAD] =	sst s4  }
0xd: {  	[smem:$0x3FAE] =	sst s5  }
0xe: {  	[smem:$0x3FAF] =	sst s6  }
0xf: {  	[smem:$0x3FB0] =	sst s7  }
0x10: {  	[smem:$0x3FB1] =	sst s8  }
0x11: {  	[smem:$0x3FB2] =	sst s9;
	s0 =	simm.s32 @!p0 $0x0  }
0x12: {  	s1 =	sld [smem:$0x3F98];
	s0 =	simm.s32 @p0 $0x1  }
0x13: {  	[smem:$0x3FB3] =	sst s0;
	s0 =	simm.s32 @!p1 $0x0  }
0x14: {  	s2 =	sld [smem:$0x3F97];
	s0 =	simm.s32 @p1 $0x1  }
0x15: {  	[smem:$0x3FB4] =	sst s0;
	s0 =	simm.s32 @!p2 $0x0  }
0x16: {  	s3 =	sld [smem:$0x3FDB];
	s0 =	simm.s32 @p2 $0x1  }
0x17: {  	s4 =	simm.s32 $0x1BF5;
	[smem:$0x3FB6] =	sst s0  }
0x18: {  	s0 =	sld [smem:$0x3F99];
	_ =	swait.ge [sflag:s4], $0x0  }
0x19: {  	s7 =	sld [smem:$0x3F9A]  }
0x1a: {  	s8 =	sadd.s32 $0xFFFFE003, lr  }
0x1b: {  	s9 =	sadd.s32 $0xFFFFFEF7, lr;
	s5 =	simm.s32 $0xFFFFFFFF;
	p2 =	slt.u32 s8, $0xFFFFF086  }
0x1c: {  	p1 =	slt.u32 s9, $0xF7A;
	s5 =	simm.s32 @!p2 $0x0  }
0x1d: {  	s5 =	simm.s32 @p1 $0x1;
	p0 =	seq.s32 s7, s2  }
0x1e: {  	s7 =	smul.u32 @!p0 $0xF7A, s2;
	p2 =	seq.s32 @!p0 s5, $0x0  }
0x1f: {  	s9 =	smul.u32 $0xF7A, s1;
	s8 =	simm.s32 @!p0 $0x1BF5;
	p2 =	por !p2, p0  }
0x20: {  	[sflag:s8] =	ssyncset.s32 @!p0 $0xFFFFF086;
	s6 =	sadd.s32 @!p0 s3, s7;
	s7 =	simm.s32 @!p0 $0x108  }
0x21: {  	s3 =	sadd.s32 s3, s9;
	s6 =	sadd.s32 @!p0 $0x88, s6;
	s7 =	simm.s32 @p2 $0x1082  }
0x22: {  	[simem:s7], [sflag:s8] =	dma.local @!p0 [hbm:s6], $0xF7A  }
0x23: {  	s9 =	sor.u32 $0xD0000000, s2;
	s6 =	simm.s32 $0x108;
	_ =	swait.ge @!p0 [sflag:s8], $0x0  }
0x24: {  	s3 =	sadd.s32 $0x88, s3;
	s6 =	simm.s32 @!p1 $0x1082;
	[sflag:s4] =	ssyncset.s32 $0xFFFFF086  }
0x25: {  	[simem:s6], [sflag:s4] =	dma.local [hbm:s3], $0xF7A  }
0x26: {  	[smem:$0x3F9A] =	sst s1;
	(tag) =	ssettag s2;
	_ =	strace s9  }
0x27: {  	s1 =	sld [smem:$0x3FAA]  }
0x28: {  	s2 =	sld [smem:$0x3FAB]  }
0x29: {  	s4 =	sld [smem:$0x3FAD]  }
0x2a: {  	p0 =	seq.s32 s5, $0x0;
	s5 =	sld [smem:$0x3FAE]  }
0x2b: {  	s6 =	sld [smem:$0x3FAF]  }
0x2c: {  	s7 =	sld [smem:$0x3FB0]  }
0x2d: {  	s3 =	simm.s32 $0x108;
	s8 =	sld [smem:$0x3FB1]  }
0x2e: {  	s3 =	simm.s32 @!p0 $0x1082;
	s9 =	sld [smem:$0x3FB2]  }
0x2f: {  	lr =	sadd.s32 s0, s3;
	s0 =	sld [smem:$0x3FA9]  }
0x30: {  	s3 =	sld [smem:$0x3FAC]  }
0x31: {  	[smem:$0x3FB5] =	sst s10  }
0x32: {  	s10 =	sld [smem:$0x3FB3];
	_ =	sdelay $0x3  }
0x33: {  	p0 =	seq.s32 s10, $0x1;
	s10 =	sld [smem:$0x3FB5];
	_ =	sdelay $0x3  }
0x34: {  	[smem:$0x3FB5] =	sst s10  }
0x35: {  	s10 =	sld [smem:$0x3FB4];
	_ =	sdelay $0x3  }
0x36: {  	p1 =	seq.s32 s10, $0x1;
	s10 =	sld [smem:$0x3FB5];
	_ =	sdelay $0x3  }
0x37: {  	[smem:$0x3FB5] =	sst s10  }
0x38: {  	s10 =	sld [smem:$0x3FB6]  }
0x39: {  	_ = 	snop;
	(pc) =	sbr.ind lr, $3  }
0x3a: {  	_ = 	snop  }
0x3b: {  	_ = 	snop  }
0x3c: {  	p2 =	seq.s32 s10, $0x1;
	s10 =	sld [smem:$0x3FB5]  }
0x3d: {  	_ =	shalt  }
0x3e: {  	_ =	shalt  }
0x3f: {  	_ =	shalt  }
0x40: {  	_ =	shalt  }
0x41: {  	_ =	shalt  }
0x42: {  	_ =	shalt  }
0x43: {  	_ =	shalt  }
0x44: {  	_ =	shalt  }
0x45: {  	_ =	shalt  }
0x46: {  	_ =	shalt  }
0x47: {  	_ =	shalt  }
0x48: {  	_ =	shalt  }
0x49: {  	_ =	shalt  }
0x4a: {  	_ =	shalt  }
0x4b: {  	_ =	shalt  }
0x4c: {  	_ =	shalt  }
0x4d: {  	_ =	shalt  }
0x4e: {  	_ =	shalt  }
0x4f: {  	_ =	shalt  }
0x50: {  	_ =	shalt  }
0x51: {  	_ =	shalt  }
0x52: {  	_ =	shalt  }
0x53: {  	_ =	shalt  }
0x54: {  	_ =	shalt  }
0x55: {  	_ =	shalt  }
0x56: {  	_ =	shalt  }
0x57: {  	_ =	shalt  }
0x58: {  	_ =	shalt  }
0x59: {  	_ =	shalt  }
0x5a: {  	_ =	shalt  }
0x5b: {  	_ =	shalt  }
0x5c: {  	_ =	shalt  }
0x5d: {  	_ =	shalt  }
0x5e: {  	_ =	shalt  }
0x5f: {  	_ =	shalt  }
0x60: {  	_ =	shalt  }
0x61: {  	_ =	shalt  }
0x62: {  	_ =	shalt  }
0x63: {  	_ =	shalt  }
0x64: {  	_ =	shalt  }
0x65: {  	_ =	shalt  }
0x66: {  	_ =	shalt  }
0x67: {  	_ =	shalt  }
0x68: {  	_ =	shalt  }
0x69: {  	_ =	shalt  }
0x6a: {  	_ =	shalt  }
0x6b: {  	_ =	shalt  }
0x6c: {  	_ =	shalt  }
0x6d: {  	_ =	shalt  }
0x6e: {  	_ =	shalt  }
0x6f: {  	_ =	shalt  }
0x70: {  	_ =	shalt  }
0x71: {  	_ =	shalt  }
0x72: {  	_ =	shalt  }
0x73: {  	_ =	shalt  }
0x74: {  	_ =	shalt  }
0x75: {  	_ =	shalt  }
0x76: {  	_ =	shalt  }
0x77: {  	_ =	shalt  }
0x78: {  	_ =	shalt  }
0x79: {  	_ =	shalt  }
0x7a: {  	_ =	shalt  }
0x7b: {  	_ =	shalt  }
0x7c: {  	_ =	shalt  }
0x7d: {  	_ =	shalt  }
0x7e: {  	_ =	shalt  }
0x7f: {  	_ =	shalt  }
0x80: {  	_ =	shalt  }
0x81: {  	_ =	shalt  }
0x82: {  	_ =	shalt  }
0x83: {  	_ =	shalt  }
0x84: {  	_ =	shalt  }
0x85: {  	_ =	shalt  }
0x86: {  	_ =	shalt  }
0x87: {  	_ =	shalt  }
.Lfunc_end0:
.L_simem_size_0:
called_computation_lowered:
.L_overlay_start_0:
0x88: {  	s2 =	sld [smem:$0x3FD9]  }
0x89: {  	s3 =	sld [smem:$0x3FFE];
	_ =	sdelay $0x1  }
0x8a: {  	s1 =	srdreg.scid  }
0x8b: {  	s0 =	sand.u32 $0x1, s1  }
0x8c: {  	s17 =	sshll.u32 s0, $0xA;
	s2 =	sadd.s32 s3, s2  }
0x8d: {  	s2 =	sadd.s32 s2, s17  }
0x8e: {  	[smem:$0x3FC1] =	sst s2  }
0x8f: {  	_ = 	snop  }
0x90: {  	s2 =	sld [smem:$0x3FC9]  }
0x91: {  	s18 =	sld [smem:$0x3FC8]  }
0x92: {  	s4 =	sld [smem:$0x3FC6]  }
0x93: {  	s5 =	sld [smem:$0x3FC5];
	(tm) =	ssettm $0x1  }
0x94: {  	s6 =	sld [smem:$0x3FFB];
	_ =	sdelay $0x3  }
0x95: {  	_ =	strace s6  }
0x96: {  	s6 =	sld [smem:$0x3FFC];
	_ =	sdelay $0x3  }
0x97: {  	_ =	strace s6  }
0x98: {  	s6 =	sld [smem:$0x3FFD];
	_ =	sdelay $0x3  }
0x99: {  	_ =	strace s6  }
0x9a: {  	_ =	strace $0x8FFFFFFF  }
0x9b: {  	s19 =	sld [smem:$0x3FDB];
	_ =	sdelay $0x1  }
0x9c: {  	s7 =	simm.s32 $_scs_section_size  }
0x9d: {  	s8 =	simm.s32 $_size__tile_overlayer_lowered;
	s9 =	simm.s32 $_tile_overlayer_lowered  }
0x9e: {  	s22 =	simm.s32 $0x1BFF;
	s21 =	sshll.u32 s9, $0x1;
	s6 =	sadd.s32 s7, s19  }
0x9f: {  	s10 =	simm.s32 $0x0;
	s20 =	sshll.u32 s8, $0x1;
	s8 =	sadd.s32 s21, s6  }
0xa0: {  	[timem:s10], [sflag:s22] =	dma.local [hbm:s8], s20  }
0xa1: {  	_ =	swait.ge [sflag:s22], s20  }
0xa2: {  	s7 =	ssub.s32 $0x0, s20;
	[sflag:s22] =	ssyncset.done $0x0  }
0xa3: {  	[sflag:s22] =	ssyncadd.s32 s7;
	_ =	sdelay $0x1  }
0xa4: {  	s23 =	simm.s32 $0x1B8B  }
0xa5: {  	_ =	swait.ge [sflag:s23], $0x1  }
0xa6: {  	[sflag:s23] =	ssyncset.done $0x0  }
0xa7: {  	s25 =	simm.s32 $0x1B8E;
	s24 =	sld [smem:$0x3FFE];
	[sflag:s23] =	ssyncadd.s32 $0xFFFFFFFF  }
0xa8: {  	s26 =	simm.s32 $execute0_lowered;
	[smem:$0x3FD2] =	sst s25  }
0xa9: {  	s8 =	sshll.u32 s26, $0x1;
	_ =	strace $0x80000046;
	[dreg:$0x1] =	wrdreg $0xFFFFFFFF  }
0xaa: {  	s28 =	simm.s32 $_size_execute0_lowered;
	s6 =	sadd.s32 s6, s8;
	[dreg:$0x0] =	wrdreg $0x0  }
0xab: {  	s8 =	sshll.u32 s28, $0x1;
	[dreg:$0x2] =	wrdreg s6  }
0xac: {  	[dreg:$0x3] =	wrdreg s8  }
0xad: {  	[dreg:$0x4] =	wrdreg $0xC0  }
0xae: {  	_ =	task [dreg:s10], $0x5FFFF  }
0xaf: {  	[dreg:$0x1] =	wrdreg $0xFFFFFFFF  }
0xb0: {  	[dreg:$0x0] =	wrdreg $0x60  }
0xb1: {  	[dreg:$0x2] =	wrdreg s2  }
0xb2: {  	[dreg:$0x3] =	wrdreg s18  }
0xb3: {  	[dreg:$0x4] =	wrdreg s4  }
0xb4: {  	[dreg:$0x5] =	wrdreg s5  }
0xb5: {  	[dreg:$0x6] =	wrdreg s24  }
0xb6: {  	[dreg:$0x7] =	wrdreg $0x9  }
0xb7: {  	_ =	task.clear_ibuf [dreg:s10], $0x8FFFF;
	_ =	strace $0x90000046  }
0xb8: {  	s29 =	simm.s32 $0x9;
	_ =	strace $0x80000048  }
0xb9: {  	_ =	swait.ge [sflag:s29], $0x1  }
0xba: {  	[sflag:s29] =	ssyncadd.s32 $0xFFFFFFFF  }
0xbb: {  	_ =	strace $0x90000048  }
0xbc: {  	_ =	sfence  }
0xbd: {  	s30 =	sld [smem:$0x0];
	_ =	sdelay $0x2  }
0xbe: {  	s31 =	sshll.u32 s1, $0xD;
	s1 =	sshrl.u32 s1, $0x2  }
0xbf: {  	s3 =	sand.u32 $0x4000, s31;
	s1 =	sadd.s32 s1, s30  }
0xc0: {  	s0 =	sor.u32 s3, s0;
	s1 =	sshll.u32 s1, $0x11  }
0xc1: {  	s0 =	sor.u32 s1, s0  }
0xc2: {  	s0 =	sadd.s32 $0x8F2B, s0  }
0xc3: {  	[sflag:s0] =	ssyncadd.remote.s32 $0x1  }
0xc4: {  	_ =	sfence.sel $0xFFFF  }
0xc5: {  	[dreg:$0x0] =	wrdreg $0xFFFFFFFF;
	(pc) =	sbr.abs _section_cstart, $3  }
0xc6: {  	[dreg:$0x1] =	wrdreg $0xFFFFFFFF  }
0xc7: {  	_ =	task.clear_ibuf [dreg:s10], $0x2FFFF;
	_ =	strace $0x9FFFFFFF  }
0xc8: {  	(tm) =	ssettm $0x7FFFFFFF  }
0xc9: {  	_ =	shalt  }
tec
execute0_lowered:
.L_overlay_start_1:
0x0: {  	(tag) =	ssettag $0x1  }
0x1: {  	s5 =	rddreg [dreg:$0x0]  }
0x2: {  	s7 =	rddreg [dreg:$0x1]  }
0x3: {  	s1 =	rddreg [dreg:$0x2];
	s2 =	srdreg.scid  }
0x4: {  	s3 =	rddreg [dreg:$0x3];
	s0 =	stileid.u32;
	s30 =	sand.u32 $0x1, s2  }
0x5: {  	s23 =	rddreg [dreg:$0x4];
	s6 =	sshll.u32 s0, $0xA;
	s8 =	sshll.u32 s30, $0x9  }
0x6: {  	s4 =	simm.s32 $0x0;
	s2 =	rddreg [dreg:$0x5];
	s13 =	sor.u32 s8, s6  }
0x7: {  	[smem:$0x7FF] =	sst s4;
	s8 =	sshrl.u32 s13, $0x3  }
0x8: {  	_ =	strace $0x80000047;
	s6 =	simm.s32 $0x3;
	s5 =	sadd.s32 s5, s8  }
0x9: {  	[tilespmem:s4], [sflag:$0x3] =	stream.linear.gather [hbm4b:s5+s4], $0x200, $0x38;
	[tilespmem:$0x10400] =	vst v63  }
0xa: {  	_ =	swait.ge [sflag:s6], $0x200  }
0xb: {  	[sflag:s6] =	ssyncset.done $0x0  }
0xc: {  	s7 =	sadd.s32 s7, s8;
	s8 =	simm.s32 $0x200;
	[sflag:s6] =	ssyncadd.s32 $0xFFFFFE00  }
0xd: {  	[tilespmem:s8], [sflag:$0x3] =	stream.linear.gather [hbm4b:s7+s4], $0x200, $0x38;
	[tilespmem:$0x10400] =	vst v63  }
0xe: {  	_ =	swait.ge [sflag:s6], $0x200  }
0xf: {  	[sflag:s6] =	ssyncset.done $0x0  }
0x10: {  	s9 =	simm.s32 $0x80;
	s10 =	simm.s32 $0x400;
	[sflag:s6] =	ssyncadd.s32 $0xFFFFFE00  }
0x11: {  	[tilespmem:s10], [sflag:$0x1] =	stream.indirect.gather [hbm4b:s1+s9], $0x80, s4, s9, $0xb8;
	[tilespmem:$0x10400] =	vst v63  }
0x12: {  	s11 =	simm.s32 $0x4400;
	s12 =	simm.s32 $0x1  }
0x13: {  	[tilespmem:s11], [sflag:$0x1] =	stream.indirect.gather [hbm4b:s1+s9], $0x80, s9, s9, $0xb8;
	[tilespmem:$0x10400] =	vst v63  }
0x14: {  	_ =	swait.ge [sflag:s12], $0x4000  }
0x15: {  	s21 =	sadd.s32 $0x1200, s23;
	s24 =	sshll.u32 s13, $0x4;
	[sflag:s12] =	ssyncset.done $0x0  }
0x16: {  	s13 =	sadd.s32 s21, s24;
	[sflag:s12] =	ssyncadd.s32 $0xFFFFC000  }
0x17: {  	[hbm4b:s13+s4] =	stream.linear.scatter [tilespmem:s10], [sflag:$0x2], $0x4000, $0x38;
	[tilespmem:$0x10400] =	vst v63  }
0x18: {  	s14 =	simm.s32 $0x100;
	s15 =	simm.s32 $0x8400  }
0x19: {  	[tilespmem:s15], [sflag:$0x1] =	stream.indirect.gather [hbm4b:s1+s9], $0x80, s14, s9, $0xb8;
	[tilespmem:$0x10400] =	vst v63  }
0x1a: {  	_ =	swait.ge [sflag:s12], $0x4000  }
0x1b: {  	s25 =	sor.u32 $0x800, s24;
	[sflag:s12] =	ssyncset.done $0x0  }
0x1c: {  	s16 =	sadd.s32 s21, s25;
	[sflag:s12] =	ssyncadd.s32 $0xFFFFC000  }
0x1d: {  	[hbm4b:s16+s4] =	stream.linear.scatter [tilespmem:s11], [sflag:$0x2], $0x4000, $0x38;
	[tilespmem:$0x10400] =	vst v63  }
0x1e: {  	s17 =	simm.s32 $0x180;
	s18 =	simm.s32 $0xC400  }
0x1f: {  	[tilespmem:s18], [sflag:$0x1] =	stream.indirect.gather [hbm4b:s1+s9], $0x80, s17, s9, $0xb8;
	[tilespmem:$0x10400] =	vst v63  }
0x20: {  	_ =	swait.ge [sflag:s12], $0x4000  }
0x21: {  	s28 =	sor.u32 $0x1000, s24;
	[sflag:s12] =	ssyncset.done $0x0  }
0x22: {  	s20 =	simm.s32 $0x2;
	s19 =	sadd.s32 s21, s28;
	[sflag:s12] =	ssyncadd.s32 $0xFFFFC000  }
0x23: {  	[hbm4b:s19+s4] =	stream.linear.scatter [tilespmem:s15], [sflag:$0x2], $0x4000, $0x38;
	[tilespmem:$0x10400] =	vst v63  }
0x24: {  	_ =	swait.ge [sflag:s20], $0x4000  }
0x25: {  	[sflag:s20] =	ssyncset.done $0x0  }
0x26: {  	[sflag:s20] =	ssyncadd.s32 $0xFFFFC000  }
0x27: {  	[tilespmem:s10], [sflag:$0x1] =	stream.indirect.gather [hbm4b:s3+s9], $0x80, s8, s9, $0xb8;
	[tilespmem:$0x10400] =	vst v63  }
0x28: {  	_ =	swait.ge [sflag:s12], $0x4000  }
0x29: {  	s29 =	sor.u32 $0x1800, s24;
	[sflag:s12] =	ssyncset.done $0x0  }
0x2a: {  	s21 =	sadd.s32 s21, s29;
	[sflag:s12] =	ssyncadd.s32 $0xFFFFC000  }
0x2b: {  	[hbm4b:s21+s4] =	stream.linear.scatter [tilespmem:s18], [sflag:$0x2], $0x4000, $0x38;
	[tilespmem:$0x10400] =	vst v63  }
0x2c: {  	_ =	swait.ge [sflag:s20], $0x4000  }
0x2d: {  	[sflag:s20] =	ssyncset.done $0x0  }
0x2e: {  	s22 =	simm.s32 $0x280;
	[sflag:s20] =	ssyncadd.s32 $0xFFFFC000  }
0x2f: {  	[tilespmem:s11], [sflag:$0x1] =	stream.indirect.gather [hbm4b:s3+s9], $0x80, s22, s9, $0xb8;
	[tilespmem:$0x10400] =	vst v63  }
0x30: {  	_ =	swait.ge [sflag:s12], $0x4000  }
0x31: {  	s31 =	sadd.s32 $0x41200, s23;
	[sflag:s12] =	ssyncset.done $0x0  }
0x32: {  	s23 =	sadd.s32 s31, s24;
	[sflag:s12] =	ssyncadd.s32 $0xFFFFC000  }
0x33: {  	[hbm4b:s23+s4] =	stream.linear.scatter [tilespmem:s10], [sflag:$0x2], $0x4000, $0x38;
	[tilespmem:$0x10400] =	vst v63  }
0x34: {  	_ =	swait.ge [sflag:s20], $0x4000  }
0x35: {  	[sflag:s20] =	ssyncset.done $0x0  }
0x36: {  	s24 =	simm.s32 $0x300;
	[sflag:s20] =	ssyncadd.s32 $0xFFFFC000  }
0x37: {  	[tilespmem:s15], [sflag:$0x1] =	stream.indirect.gather [hbm4b:s3+s9], $0x80, s24, s9, $0xb8;
	[tilespmem:$0x10400] =	vst v63  }
0x38: {  	_ =	swait.ge [sflag:s12], $0x4000  }
0x39: {  	[sflag:s12] =	ssyncset.done $0x0  }
0x3a: {  	s25 =	sadd.s32 s31, s25;
	[sflag:s12] =	ssyncadd.s32 $0xFFFFC000  }
0x3b: {  	[hbm4b:s25+s4] =	stream.linear.scatter [tilespmem:s11], [sflag:$0x2], $0x4000, $0x38;
	[tilespmem:$0x10400] =	vst v63  }
0x3c: {  	_ =	swait.ge [sflag:s20], $0x4000  }
0x3d: {  	[sflag:s20] =	ssyncset.done $0x0  }
0x3e: {  	s26 =	simm.s32 $0x380;
	[sflag:s20] =	ssyncadd.s32 $0xFFFFC000  }
0x3f: {  	[tilespmem:s18], [sflag:$0x1] =	stream.indirect.gather [hbm4b:s3+s9], $0x80, s26, s9, $0xb8;
	[tilespmem:$0x10400] =	vst v63  }
0x40: {  	_ =	swait.ge [sflag:s12], $0x4000  }
0x41: {  	[sflag:s12] =	ssyncset.done $0x0  }
0x42: {  	s28 =	sadd.s32 s31, s28;
	[sflag:s12] =	ssyncadd.s32 $0xFFFFC000  }
0x43: {  	[hbm4b:s28+s4] =	stream.linear.scatter [tilespmem:s15], [sflag:$0x2], $0x4000, $0x38;
	[tilespmem:$0x10400] =	vst v63  }
0x44: {  	_ =	swait.ge [sflag:s12], $0x4000  }
0x45: {  	[sflag:s12] =	ssyncset.done $0x0  }
0x46: {  	s29 =	sadd.s32 s31, s29;
	[sflag:s12] =	ssyncadd.s32 $0xFFFFC000  }
0x47: {  	[hbm4b:s29+s4] =	stream.linear.scatter [tilespmem:s18], [sflag:$0x2], $0x4000, $0x38;
	[tilespmem:$0x10400] =	vst v63  }
0x48: {  	_ =	swait.ge [sflag:s20], $0x4000  }
0x49: {  	s30 =	ssub.s32 $0x2, s30;
	[sflag:s20] =	ssyncset.done $0x0  }
0x4a: {  	s31 =	sshrl.u32 s30, $0x1;
	[sflag:s20] =	ssyncadd.s32 $0xFFFFC000  }
0x4b: {  	s30 =	ssub.s32 s30, s31;
	_ =	swait.ge [sflag:s20], $0x4000  }
0x4c: {  	s30 =	smax.u32 s30, $0x1;
	[sflag:s20] =	ssyncset.done $0x0  }
0x4d: {  	p0 =	sne.s32 s30, $0x1;
	[sflag:s20] =	ssyncadd.s32 $0xFFFFC000  }
.Ltmp0:
0x4e: {  	_ =	swait.ge [sflag:s20], $0x4000;
	(pc) =	sbr.rel @!p0 .LBB2_2-.Ltmp0, $4  }
0x4f: {  	[sflag:s20] =	ssyncset.done $0x0  }
0x50: {  	[sflag:s20] =	ssyncadd.s32 $0xFFFFC000  }
0x51: {  	_ =	swait.ge [sflag:s20], $0x4000  }
0x52: {  	s30 =	sadd.s32 $0xFFFFFFFF, s30;
	[sflag:s20] =	ssyncset.done $0x0  }
.LBB2_1:
0x53: {  	p0 =	sne.s32 s30, $0x1;
	s30 =	sadd.s32 $0xFFFFFFFF, s30;
	[sflag:s20] =	ssyncadd.s32 $0xFFFFC000  }
0x54: {  	[tilespmem:s4], [sflag:$0x3] =	stream.linear.gather [hbm4b:s5+s4], $0x200, $0x38;
	[tilespmem:$0x10400] =	vst v63  }
0x55: {  	_ =	swait.ge [sflag:s6], $0x200  }
0x56: {  	[sflag:s6] =	ssyncset.done $0x0  }
0x57: {  	[sflag:s6] =	ssyncadd.s32 $0xFFFFFE00  }
0x58: {  	[tilespmem:s8], [sflag:$0x3] =	stream.linear.gather [hbm4b:s7+s4], $0x200, $0x38;
	[tilespmem:$0x10400] =	vst v63  }
0x59: {  	_ =	swait.ge [sflag:s6], $0x200  }
0x5a: {  	[sflag:s6] =	ssyncset.done $0x0  }
0x5b: {  	[sflag:s6] =	ssyncadd.s32 $0xFFFFFE00  }
0x5c: {  	[tilespmem:s10], [sflag:$0x1] =	stream.indirect.gather [hbm4b:s1+s9], $0x80, s4, s9, $0xb8;
	[tilespmem:$0x10400] =	vst v63  }
0x5d: {  	_ = 	snop  }
0x5e: {  	[tilespmem:s11], [sflag:$0x1] =	stream.indirect.gather [hbm4b:s1+s9], $0x80, s9, s9, $0xb8;
	[tilespmem:$0x10400] =	vst v63  }
0x5f: {  	_ =	swait.ge [sflag:s12], $0x4000  }
0x60: {  	[sflag:s12] =	ssyncset.done $0x0  }
0x61: {  	[sflag:s12] =	ssyncadd.s32 $0xFFFFC000  }
0x62: {  	[hbm4b:s13+s4] =	stream.linear.scatter [tilespmem:s10], [sflag:$0x2], $0x4000, $0x38;
	[tilespmem:$0x10400] =	vst v63  }
0x63: {  	_ = 	snop  }
0x64: {  	[tilespmem:s15], [sflag:$0x1] =	stream.indirect.gather [hbm4b:s1+s9], $0x80, s14, s9, $0xb8;
	[tilespmem:$0x10400] =	vst v63  }
0x65: {  	_ =	swait.ge [sflag:s12], $0x4000  }
0x66: {  	[sflag:s12] =	ssyncset.done $0x0  }
0x67: {  	[sflag:s12] =	ssyncadd.s32 $0xFFFFC000  }
0x68: {  	[hbm4b:s16+s4] =	stream.linear.scatter [tilespmem:s11], [sflag:$0x2], $0x4000, $0x38;
	[tilespmem:$0x10400] =	vst v63  }
0x69: {  	_ = 	snop  }
0x6a: {  	[tilespmem:s18], [sflag:$0x1] =	stream.indirect.gather [hbm4b:s1+s9], $0x80, s17, s9, $0xb8;
	[tilespmem:$0x10400] =	vst v63  }
0x6b: {  	_ =	swait.ge [sflag:s12], $0x4000  }
0x6c: {  	[sflag:s12] =	ssyncset.done $0x0  }
0x6d: {  	[sflag:s12] =	ssyncadd.s32 $0xFFFFC000  }
0x6e: {  	[hbm4b:s19+s4] =	stream.linear.scatter [tilespmem:s15], [sflag:$0x2], $0x4000, $0x38;
	[tilespmem:$0x10400] =	vst v63  }
0x6f: {  	_ =	swait.ge [sflag:s20], $0x4000  }
0x70: {  	[sflag:s20] =	ssyncset.done $0x0  }
0x71: {  	[sflag:s20] =	ssyncadd.s32 $0xFFFFC000  }
0x72: {  	[tilespmem:s10], [sflag:$0x1] =	stream.indirect.gather [hbm4b:s3+s9], $0x80, s8, s9, $0xb8;
	[tilespmem:$0x10400] =	vst v63  }
0x73: {  	_ =	swait.ge [sflag:s12], $0x4000  }
0x74: {  	[sflag:s12] =	ssyncset.done $0x0  }
0x75: {  	[sflag:s12] =	ssyncadd.s32 $0xFFFFC000  }
0x76: {  	[hbm4b:s21+s4] =	stream.linear.scatter [tilespmem:s18], [sflag:$0x2], $0x4000, $0x38;
	[tilespmem:$0x10400] =	vst v63  }
0x77: {  	_ =	swait.ge [sflag:s20], $0x4000  }
0x78: {  	[sflag:s20] =	ssyncset.done $0x0  }
0x79: {  	[sflag:s20] =	ssyncadd.s32 $0xFFFFC000  }
0x7a: {  	[tilespmem:s11], [sflag:$0x1] =	stream.indirect.gather [hbm4b:s3+s9], $0x80, s22, s9, $0xb8;
	[tilespmem:$0x10400] =	vst v63  }
0x7b: {  	_ =	swait.ge [sflag:s12], $0x4000  }
0x7c: {  	[sflag:s12] =	ssyncset.done $0x0  }
0x7d: {  	[sflag:s12] =	ssyncadd.s32 $0xFFFFC000  }
0x7e: {  	[hbm4b:s23+s4] =	stream.linear.scatter [tilespmem:s10], [sflag:$0x2], $0x4000, $0x38;
	[tilespmem:$0x10400] =	vst v63  }
0x7f: {  	_ =	swait.ge [sflag:s20], $0x4000  }
0x80: {  	[sflag:s20] =	ssyncset.done $0x0  }
0x81: {  	[sflag:s20] =	ssyncadd.s32 $0xFFFFC000  }
0x82: {  	[tilespmem:s15], [sflag:$0x1] =	stream.indirect.gather [hbm4b:s3+s9], $0x80, s24, s9, $0xb8;
	[tilespmem:$0x10400] =	vst v63  }
0x83: {  	_ =	swait.ge [sflag:s12], $0x4000  }
0x84: {  	[sflag:s12] =	ssyncset.done $0x0  }
0x85: {  	[sflag:s12] =	ssyncadd.s32 $0xFFFFC000  }
0x86: {  	[hbm4b:s25+s4] =	stream.linear.scatter [tilespmem:s11], [sflag:$0x2], $0x4000, $0x38;
	[tilespmem:$0x10400] =	vst v63  }
0x87: {  	_ =	swait.ge [sflag:s20], $0x4000  }
0x88: {  	[sflag:s20] =	ssyncset.done $0x0  }
0x89: {  	[sflag:s20] =	ssyncadd.s32 $0xFFFFC000  }
0x8a: {  	[tilespmem:s18], [sflag:$0x1] =	stream.indirect.gather [hbm4b:s3+s9], $0x80, s26, s9, $0xb8;
	[tilespmem:$0x10400] =	vst v63  }
0x8b: {  	_ =	swait.ge [sflag:s12], $0x4000  }
0x8c: {  	[sflag:s12] =	ssyncset.done $0x0  }
0x8d: {  	[sflag:s12] =	ssyncadd.s32 $0xFFFFC000  }
0x8e: {  	[hbm4b:s28+s4] =	stream.linear.scatter [tilespmem:s15], [sflag:$0x2], $0x4000, $0x38;
	[tilespmem:$0x10400] =	vst v63  }
0x8f: {  	_ =	swait.ge [sflag:s12], $0x4000  }
0x90: {  	[sflag:s12] =	ssyncset.done $0x0  }
0x91: {  	[sflag:s12] =	ssyncadd.s32 $0xFFFFC000  }
0x92: {  	[hbm4b:s29+s4] =	stream.linear.scatter [tilespmem:s18], [sflag:$0x2], $0x4000, $0x38;
	[tilespmem:$0x10400] =	vst v63  }
0x93: {  	_ =	swait.ge [sflag:s20], $0x4000  }
0x94: {  	[sflag:s20] =	ssyncset.done $0x0  }
0x95: {  	[sflag:s20] =	ssyncadd.s32 $0xFFFFC000  }
0x96: {  	_ =	swait.ge [sflag:s20], $0x4000  }
0x97: {  	[sflag:s20] =	ssyncset.done $0x0  }
0x98: {  	[sflag:s20] =	ssyncadd.s32 $0xFFFFC000  }
.Ltmp1:
0x99: {  	_ =	swait.ge [sflag:s20], $0x4000;
	(pc) =	sbr.rel @p0 .LBB2_1-.Ltmp1, $4  }
0x9a: {  	[sflag:s20] =	ssyncset.done $0x0  }
0x9b: {  	[sflag:s20] =	ssyncadd.s32 $0xFFFFC000  }
0x9c: {  	_ =	swait.ge [sflag:s20], $0x4000  }
0x9d: {  	[sflag:s20] =	ssyncset.done $0x0  }
.LBB2_2:
0x9e: {  	[sflag:s20] =	ssyncadd.s32 $0xFFFFC000  }
0x9f: {  	_ =	sfence.sel $0x180000  }
0xa0: {  	[bflag:$0x0] =	sbarrier.arrive $0xFFFF  }
0xa1: {  	p0 =	sne.s32 s0, $0x0;
	_ =	strace $0x90000047  }
0xa2: {  	s0 =	sadd.s32 @!p0 $0x100000, s2;
	[bflag:$0x2] =	sbarrier.arrive $0xFFFF  }
0xa3: {  	[sflag:s0] =	ssyncadd.tile.s32 @!p0 $0x1;
	_ =	shalt  }
.Lfunc_end2:
_tile_overlayer_lowered:
.L_overlay_start_2:
0xa4: {  	(tag) =	ssettag $0x2  }
0xa5: {  	s0 =	rddreg [dreg:$0x0];
	s2 =	stileid.u32  }
0xa6: {  	s1 =	rddreg [dreg:$0x1];
	p0 =	sne.s32 s2, $0x0  }
0xa7: {  	s3 =	rddreg [dreg:$0x2];
	[bflag:$0x3] =	sbarrier.arrive $0xFFFF;
	s2 =	simm.s32 @!p0 $0x1C03  }
0xa8: {  	[timem:s3], [sflag:s2] =	dma.local @!p0 [hbm:s0], s1  }
0xa9: {  	s0 =	simm.s32 @!p0 $0x3  }
0xaa: {  	_ =	swait.ge @!p0 [sflag:s0], s1  }
0xab: {  	s1 =	ssub.s32 @!p0 $0x0, s1;
	[sflag:s0] =	ssyncset.done @!p0 $0x0  }
0xac: {  	[sflag:s0] =	ssyncadd.s32 @!p0 s1  }
0xad: {  	[bflag:$0x3] =	sbarrier.arrive $0xFFFF  }
0xae: {  	_ =	shalt  }

</sc_bundles>
